<compile_context>
chip_gen: v7x
topology: tpu7x:2x2x1
jax: 0.10.2.dev20260603
libtpu: 0.0.44.dev20260713+nightly
codegen_flags: <defaults>
</compile_context>

<pallas_src>
import functools

import jax
import jax.numpy as jnp
from jax import lax
from jax.experimental import pallas as pl
from jax.experimental.pallas import tpu as pltpu
from jax.experimental.pallas import tpu_sc as plsc

NN = 10000
NP = 10240
EE = 320000
NCORE = 2
NSUB = 16
KCH = 128
EP = 327680
NCH = EP // NSUB // KCH
ROWS_PER_TILE = NP // NSUB

_SC_PARAMS = pltpu.CompilerParams(use_tc_tiling_on_sc=False)


def _mesh():
    return plsc.VectorSubcoreMesh(core_axis_name="c", subcore_axis_name="s")



def _hist_body(dstr, out, dst_v, ones_v, zb_v, hsem, acc_sh):
    c = lax.axis_index("c")
    s = lax.axis_index("s")
    nch = EP // 32 // KCH
    pltpu.sync_copy(dstr.at[s].at[pl.ds(c * nch, nch)], dst_v)

    zeros = jnp.zeros((16,), jnp.float32)
    ones = jnp.ones((16,), jnp.float32)

    def zloop(i, _):
        zb_v[pl.ds(i * 16, 16)] = zeros
        return 0
    lax.fori_loop(0, ROWS_PER_TILE // 16, zloop, 0)

    def oloop(i, _):
        ones_v[pl.ds(i * 16, 16)] = ones
        return 0
    lax.fori_loop(0, KCH // 16, oloop, 0)

    row0 = s * ROWS_PER_TILE
    pltpu.sync_copy(zb_v, acc_sh.at[pl.ds(row0, ROWS_PER_TILE)])
    plsc.subcore_barrier()

    def pair(g, _):
        pltpu.async_copy(ones_v, acc_sh.at[dst_v.at[2 * g]], hsem, add=True)
        pltpu.sync_copy(ones_v, acc_sh.at[dst_v.at[2 * g + 1]], add=True)
        pltpu.make_async_copy(ones_v, acc_sh.at[dst_v.at[2 * g]], hsem).wait()
        return 0
    lax.fori_loop(0, nch // 2, pair, 0)

    plsc.subcore_barrier()
    pltpu.sync_copy(acc_sh.at[pl.ds(row0, ROWS_PER_TILE)],
                    out.at[c].at[pl.ds(row0, ROWS_PER_TILE)])


@jax.jit
def _hist(dstr):
    return pl.kernel(
        _hist_body,
        out_type=jax.ShapeDtypeStruct((NCORE, NP), jnp.float32),
        mesh=_mesh(),
        compiler_params=_SC_PARAMS,
        scratch_types=[
            pltpu.VMEM((EP // 32 // KCH, KCH), jnp.int32),
            pltpu.VMEM((KCH,), jnp.float32),
            pltpu.VMEM((ROWS_PER_TILE,), jnp.float32),
            pltpu.SemaphoreType.DMA,
            pltpu.VMEM_SHARED((NP,), jnp.float32),
        ],
    )(dstr)



def _agg_body(nbuf, srcr, dstr, zs, zrows, out, *scratch):
    src_v, dst_v = scratch[0], scratch[1]
    rows = scratch[2:2 + nbuf]
    gsem = scratch[2 + nbuf:2 + 2 * nbuf]
    ssem = scratch[2 + 2 * nbuf:2 + 3 * nbuf]
    acc = scratch[2 + 3 * nbuf]
    NBUF = nbuf
    c = lax.axis_index("c")
    s = lax.axis_index("s")

    row0 = s * ROWS_PER_TILE
    pltpu.async_copy(srcr.at[s], src_v, gsem[0])
    pltpu.async_copy(dstr.at[s], dst_v, gsem[1])
    for k in range(ROWS_PER_TILE // KCH):
        pltpu.async_copy(zrows, acc.at[pl.ds(row0 + k * KCH, KCH)], ssem[0])
    table = zs.at[c]
    pltpu.make_async_copy(srcr.at[s], src_v, gsem[0]).wait()
    pltpu.make_async_copy(dstr.at[s], dst_v, gsem[1]).wait()
    for k in range(ROWS_PER_TILE // KCH):
        pltpu.make_async_copy(zrows, acc.at[pl.ds(row0 + k * KCH, KCH)],
                              ssem[0]).wait()
    plsc.subcore_barrier()

    for b in range(NBUF):
        pltpu.async_copy(table.at[src_v.at[b]], rows[b], gsem[b])

    def group(g, _):
        j0 = NBUF * g
        for b in range(NBUF):
            j = j0 + b
            pltpu.make_async_copy(table.at[src_v.at[j]], rows[b],
                                  gsem[b]).wait()
            pltpu.async_copy(rows[b], acc.at[dst_v.at[j]], ssem[b], add=True)
        for b in range(NBUF):
            j = j0 + b
            nxt = j + NBUF

            @pl.when(nxt < NCH)
            def _():
                pltpu.make_async_copy(rows[b], acc.at[dst_v.at[j]],
                                      ssem[b]).wait()
                pltpu.async_copy(table.at[src_v.at[nxt]], rows[b], gsem[b])
        return 0

    lax.fori_loop(0, NCH // NBUF, group, 0)
    for b in range(NBUF):
        j = NCH - NBUF + b
        pltpu.make_async_copy(rows[b], acc.at[dst_v.at[j]], ssem[b]).wait()
    plsc.subcore_barrier()

    pltpu.sync_copy(acc.at[pl.ds(row0, ROWS_PER_TILE)],
                    out.at[c].at[pl.ds(row0, ROWS_PER_TILE)])


@functools.partial(jax.jit, static_argnames=("CH", "nbuf"))
def _agg_col(srcr, dstr, zs, CH, nbuf=4):
    zrows = jnp.zeros((KCH, CH), jnp.float32)
    return pl.kernel(
        functools.partial(_agg_body, nbuf),
        out_type=jax.ShapeDtypeStruct((NCORE, NP, CH), jnp.float32),
        mesh=_mesh(),
        compiler_params=_SC_PARAMS,
        scratch_types=[
            pltpu.VMEM((NCH, KCH), jnp.int32),
            pltpu.VMEM((NCH, KCH), jnp.int32),
        ] + [pltpu.VMEM((KCH, CH), jnp.float32)] * nbuf + [
            pltpu.SemaphoreType.DMA,
        ] * (2 * nbuf) + [
            pltpu.VMEM_SHARED((NP, CH), jnp.float32),
        ],
    )(srcr, dstr, zs, zrows)



def _head_body(hist_ref, x_ref, w_ref, dinv_ref, z_ref):
    deg = (hist_ref[0] + hist_ref[1] + 1.0)[:, None]
    rows = lax.broadcasted_iota(jnp.int32, (NP, 1), 0)
    dinv = jnp.where(rows < NN, lax.rsqrt(deg), 0.0)
    dinv_ref[...] = dinv
    z = dinv[:NN] * jnp.dot(x_ref[...], w_ref[...],
                            preferred_element_type=jnp.float32)
    z_ref[0, :NN] = z[:, :32]
    z_ref[0, NN:] = jnp.zeros((NP - NN, 32), jnp.float32)
    z_ref[1, :NN] = z[:, 32:]
    z_ref[1, NN:] = jnp.zeros((NP - NN, 32), jnp.float32)


def _tc_head(hist, x, W1):
    return pl.pallas_call(
        _head_body,
        out_shape=[
            jax.ShapeDtypeStruct((NP, 1), jnp.float32),
            jax.ShapeDtypeStruct((2, NP, 32), jnp.float32),
        ],
    )(hist, x, W1)


def _post_body(p_ref, z_ref, dinv_ref, b_ref, w_ref, o_ref):
    dinv = dinv_ref[...]
    g = jnp.concatenate([p_ref[0] + z_ref[0], p_ref[1] + z_ref[1]], axis=1)
    h = jax.nn.relu(dinv * g + b_ref[...])
    zn = dinv * jnp.dot(h, w_ref[...], preferred_element_type=jnp.float32)
    C2 = w_ref.shape[1]
    o_ref[0] = zn[:, :C2 // 2]
    o_ref[1] = zn[:, C2 // 2:]


def _tc_post(P, z, dinv, b, W):
    C = 2 * z.shape[2]
    C2 = W.shape[1]
    return pl.pallas_call(
        _post_body,
        out_shape=jax.ShapeDtypeStruct((2, NP, C2 // 2), jnp.float32),
    )(P, z, dinv, b.reshape(1, C), W)


def _pre_body(p_ref, z_ref, dinv_ref, b_ref, w_ref, o_ref):
    dinv = dinv_ref[...]
    g = dinv * jnp.concatenate(
        [p_ref[0] + z_ref[0], p_ref[1] + z_ref[1]], axis=1)
    h = jax.nn.relu(jnp.dot(g, w_ref[...],
                            preferred_element_type=jnp.float32) + b_ref[...])
    zn = dinv * h
    C2 = w_ref.shape[1]
    o_ref[0] = zn[:, :C2 // 2]
    o_ref[1] = zn[:, C2 // 2:]


def _tc_pre(P, z, dinv, b, W):
    C2 = W.shape[1]
    return pl.pallas_call(
        _pre_body,
        out_shape=jax.ShapeDtypeStruct((2, NP, C2 // 2), jnp.float32),
    )(P, z, dinv, b.reshape(1, C2), W)


def _tail_body(p_ref, z_ref, dinv_ref, w6_ref, b6_ref, wf_ref, bf_ref, o_ref):
    dinv = dinv_ref[:NN]
    g = dinv * jnp.concatenate(
        [p_ref[0, :NN] + z_ref[0, :NN], p_ref[1, :NN] + z_ref[1, :NN]],
        axis=1)
    h = jax.nn.relu(jnp.dot(g, w6_ref[...],
                            preferred_element_type=jnp.float32) + b6_ref[...])
    o_ref[...] = jnp.dot(h, wf_ref[...],
                         preferred_element_type=jnp.float32) + bf_ref[...]


def _tc_tail(P, z, dinv, W6, b6, Wf, bf):
    return pl.pallas_call(
        _tail_body,
        out_shape=jax.ShapeDtypeStruct((NN, 128), jnp.float32),
    )(P, z, dinv, W6, b6.reshape(1, 128), Wf, bf.reshape(1, 128))


def kernel(x, edge_index, batch, W1, b1, W2, b2, W3, b3, W4, b4, W5, b5,
           W6, b6, Wf, bf):
    src = edge_index[0]
    dst = edge_index[1]
    pad = EP - EE
    srcp = jnp.concatenate([src, jnp.full((pad,), NN, jnp.int32)])
    dstp = jnp.concatenate([dst, jnp.full((pad,), NN, jnp.int32)])
    srcr = srcp.reshape(NSUB, NCH, KCH)
    dstr = dstp.reshape(NSUB, NCH, KCH)

    hist = _hist(dstr)
    dinv, z1 = _tc_head(hist, x, W1)

    P = _agg_col(srcr, dstr, z1, 32, nbuf=8)
    z2 = _tc_post(P, z1, dinv, b1, W2)
    P = _agg_col(srcr, dstr, z2, 16, nbuf=8)
    z3 = _tc_post(P, z2, dinv, b2, W3)
    P = _agg_col(srcr, dstr, z3, 8, nbuf=8)
    z4 = _tc_post(P, z3, dinv, b3, jnp.eye(16, dtype=jnp.float32))
    P = _agg_col(srcr, dstr, z4, 8, nbuf=8)
    z5 = _tc_pre(P, z4, dinv, b4, W4)
    P = _agg_col(srcr, dstr, z5, 16, nbuf=8)
    z6 = _tc_pre(P, z5, dinv, b5, W5)
    P = _agg_col(srcr, dstr, z6, 32, nbuf=8)
    return _tc_tail(P, z6, dinv, W6, b6, Wf, bf)

# --- scband reference (transcript-rebuilt; emitter-appended) ---
"""Pipeline reference for scband-unsupervised-gcn-86431921864946 (READ-ONLY COPY).

The authoritative reference and input builder live on the scoring server;
editing this copy changes nothing except your own understanding.
"""

import jax, jax.numpy as jnp
import numpy as np

N = 10000
E = 320000
F_IN = 128
H = 64

DIMS = [(F_IN, H), (H, H // 2), (H // 2, H // 4), (H // 4, H // 2), (H // 2, H), (H, F_IN)]


def setup_inputs(seed: int = 0) -> dict:
    key = jax.random.key(seed)
    ks = jax.random.split(key, 2 + 2 * len(DIMS) + 2)
    inp = {}
    inp['x'] = jax.random.normal(ks[0], (N, F_IN), dtype=jnp.float32)
    inp['edge_index'] = jax.random.randint(ks[1], (2, E), 0, N, dtype=jnp.int32)
    inp['batch'] = jnp.zeros((N,), dtype=jnp.int32)
    for i, (din, dout) in enumerate(DIMS):
        scale = 1.0 / np.sqrt(din)
        inp[f'W{i + 1}'] = jax.random.normal(ks[2 + 2 * i], (din, dout), dtype=jnp.float32) * scale
        inp[f'b{i + 1}'] = jnp.zeros((dout,), dtype=jnp.float32)
    inp['Wf'] = jax.random.normal(ks[2 + 2 * len(DIMS)], (F_IN, F_IN), dtype=jnp.float32) * (1.0 / np.sqrt(F_IN))
    inp['bf'] = jnp.zeros((F_IN,), dtype=jnp.float32)
    return inp


def reference(x, edge_index, batch, W1, b1, W2, b2, W3, b3, W4, b4, W5, b5, W6, b6, Wf, bf):
    # GCN normalization with self-loops (PyG GCNConv semantics, eval mode so dropout = identity)
    src = edge_index[0]
    dst = edge_index[1]
    loop = jnp.arange(N, dtype=src.dtype)
    src = jnp.concatenate([src, loop])
    dst = jnp.concatenate([dst, loop])
    deg = jnp.zeros((N,), jnp.float32).at[dst].add(1.0)
    dinv = jnp.where(deg > 0, 1.0 / jnp.sqrt(deg), 0.0)
    norm = dinv[src] * dinv[dst]

    def conv(h, W, b):
        h = h @ W
        msg = jnp.take(h, src, axis=0) * norm[:, None]
        out = jnp.zeros((N, W.shape[1]), h.dtype).at[dst].add(msg)
        return out + b

    h = jax.nn.relu(conv(x, W1, b1))
    h = jax.nn.relu(conv(h, W2, b2))
    h = jax.nn.relu(conv(h, W3, b3))
    h = jax.nn.relu(conv(h, W4, b4))
    h = jax.nn.relu(conv(h, W5, b5))
    h = jax.nn.relu(conv(h, W6, b6))
    return h @ Wf + bf

if __name__ == "__main__":
    import jax
    _d = setup_inputs()
    print(jax.jit(kernel)(*tuple(_d.values())))

</pallas_src>

<mosaic_0001>
#map = affine_map<(d0, d1) -> (0, 0, 0)>
#map1 = affine_map<(d0, d1) -> (0, 0)>
module attributes {stable_mosaic.version = 14 : i64} {
  func.func @_hist_body(%arg0: i32, %arg1: i32, %arg2: memref<16x160x128xi32, #tpu.memory_space<hbm>>, %arg3: memref<2x10240xf32, #tpu.memory_space<hbm>>, %arg4: memref<80x128xi32, #tpu.memory_space<vmem>>, %arg5: memref<128xf32, #tpu.memory_space<vmem>>, %arg6: memref<640xf32, #tpu.memory_space<vmem>>, %arg7: memref<!tpu.dma_semaphore, #tpu.memory_space<semaphore_mem>>, %arg8: memref<10240xf32, #tpu.memory_space<vmem_shared>>) attributes {dimension_semantics = [#tpu.dimension_semantics<core_parallel>, #tpu.dimension_semantics<subcore_parallel>], iteration_bounds = array<i64: 2, 16>, scalar_prefetch = 0 : i64, scratch_operands = 5 : i64, tpu.core_type = #tpu.core_type<sc_vector_subcore>, window_params = [{transform_indices = #map}, {transform_indices = #map1}]} {
    %mul3A = arith.constant 80 : i32
    %mul3A_0 = arith.muli %arg0, %mul3A : i32
    "tpu.region"() ({
      %run_scoped3A = tpu.sem_alloc : memref<!tpu.dma_semaphore, #tpu.memory_space<semaphore_mem>>
      %dma_start3A = arith.constant 0 : i32
      %dma_start3A_27 = arith.constant 0 : i32
      %dma_start3A_28 = tpu.memref_slice %arg2[%arg1, %dma_start3A, %dma_start3A_27] : memref<16x160x128xi32, #tpu.memory_space<hbm>> -> memref<1x160x128xi32, #tpu.memory_space<hbm>>
      %dma_start3A_29 = tpu.memref_squeeze %dma_start3A_28 : memref<1x160x128xi32, #tpu.memory_space<hbm>> -> memref<160x128xi32, #tpu.memory_space<hbm>>
      %dma_start3A_30 = arith.constant 0 : i32
      %dma_start3A_31 = tpu.memref_slice %dma_start3A_29[%mul3A_0, %dma_start3A_30] : memref<160x128xi32, #tpu.memory_space<hbm>> -> memref<80x128xi32, #tpu.memory_space<hbm>>
      %dma_start3A_32 = arith.constant 0 : i32
      %dma_start3A_33 = arith.constant 0 : i32
      %dma_start3A_34 = tpu.memref_slice %arg2[%arg1, %dma_start3A_32, %dma_start3A_33] : memref<16x160x128xi32, #tpu.memory_space<hbm>> -> memref<1x160x128xi32, #tpu.memory_space<hbm>>
      %dma_start3A_35 = tpu.memref_squeeze %dma_start3A_34 : memref<1x160x128xi32, #tpu.memory_space<hbm>> -> memref<160x128xi32, #tpu.memory_space<hbm>>
      %dma_start3A_36 = arith.constant 0 : i32
      %dma_start3A_37 = tpu.memref_slice %dma_start3A_35[%mul3A_0, %dma_start3A_36] : memref<160x128xi32, #tpu.memory_space<hbm>> -> memref<80x128xi32, #tpu.memory_space<hbm>>
      tpu.enqueue_dma source(%dma_start3A_37 : memref<80x128xi32, #tpu.memory_space<hbm>>) target(%arg4 : memref<80x128xi32, #tpu.memory_space<vmem>>) target_semaphore(%run_scoped3A : memref<!tpu.dma_semaphore, #tpu.memory_space<semaphore_mem>>)
      %dma_wait3A = arith.constant 0 : i32
      %dma_wait3A_38 = arith.constant 0 : i32
      %dma_wait3A_39 = tpu.memref_slice %arg2[%arg1, %dma_wait3A, %dma_wait3A_38] : memref<16x160x128xi32, #tpu.memory_space<hbm>> -> memref<1x160x128xi32, #tpu.memory_space<hbm>>
      %dma_wait3A_40 = tpu.memref_squeeze %dma_wait3A_39 : memref<1x160x128xi32, #tpu.memory_space<hbm>> -> memref<160x128xi32, #tpu.memory_space<hbm>>
      %dma_wait3A_41 = arith.constant 0 : i32
      %dma_wait3A_42 = tpu.memref_slice %dma_wait3A_40[%mul3A_0, %dma_wait3A_41] : memref<160x128xi32, #tpu.memory_space<hbm>> -> memref<80x128xi32, #tpu.memory_space<hbm>>
      %dma_wait3A_43 = arith.constant 0 : i32
      %dma_wait3A_44 = arith.constant 0 : i32
      %dma_wait3A_45 = tpu.memref_slice %arg2[%arg1, %dma_wait3A_43, %dma_wait3A_44] : memref<16x160x128xi32, #tpu.memory_space<hbm>> -> memref<1x160x128xi32, #tpu.memory_space<hbm>>
      %dma_wait3A_46 = tpu.memref_squeeze %dma_wait3A_45 : memref<1x160x128xi32, #tpu.memory_space<hbm>> -> memref<160x128xi32, #tpu.memory_space<hbm>>
      %dma_wait3A_47 = arith.constant 0 : i32
      %dma_wait3A_48 = tpu.memref_slice %dma_wait3A_46[%mul3A_0, %dma_wait3A_47] : memref<160x128xi32, #tpu.memory_space<hbm>> -> memref<80x128xi32, #tpu.memory_space<hbm>>
      tpu.wait_dma2 semaphore(%run_scoped3A : memref<!tpu.dma_semaphore, #tpu.memory_space<semaphore_mem>>) src(%dma_wait3A_48 : memref<80x128xi32, #tpu.memory_space<hbm>>) dst(%arg4 : memref<80x128xi32, #tpu.memory_space<vmem>>)
      tpu.yield
    }) : () -> ()
    %broadcast_in_dim3A = arith.constant 0.000000e+00 : f32
    %broadcast_in_dim3A_1 = vector.broadcast %broadcast_in_dim3A : f32 to vector<16xf32>
    %broadcast_in_dim3A_2 = arith.constant 1.000000e+00 : f32
    %broadcast_in_dim3A_3 = vector.broadcast %broadcast_in_dim3A_2 : f32 to vector<16xf32>
    %scan3A = arith.constant 0 : i32
    %scan3A_4 = arith.constant 0 : i32
    %scan3A_5 = arith.constant 40 : i32
    %scan3A_6 = arith.addi %scan3A_4, %scan3A_5 : i32
    %scan3A_7 = arith.constant 1 : i32
    %scan3A_8 = scf.for %scan3A_27 = %scan3A_4 to %scan3A_6 step %scan3A_7 iter_args(%scan3A_28 = %scan3A) -> (i32)  : i32 {
      %mul3A_29 = arith.constant 16 : i32
      %mul3A_30 = arith.muli %scan3A_27, %mul3A_29 : i32
      %swap3A = arith.index_cast %mul3A_30 : i32 to index
      %swap3A_31 = tpu.vector_load %arg6[%swap3A] {strides = array<i32>} : memref<640xf32, #tpu.memory_space<vmem>>, vector<16xf32>,
      %swap3A_32 = vector.shape_cast %swap3A_31 : vector<16xf32> to vector<16xf32>
      %swap3A_33 = vector.shape_cast %broadcast_in_dim3A_1 : vector<16xf32> to vector<16xf32>
      tpu.vector_store %arg6[%swap3A], %swap3A_33 {strides = array<i32>} : memref<640xf32, #tpu.memory_space<vmem>>, vector<16xf32>,
      %scan3A_34 = arith.constant 0 : i32
      scf.yield %scan3A_34 : i32
    }
    %scan3A_9 = arith.constant 40 : i32
    %scan3A_10 = arith.constant 0 : i32
    %scan3A_11 = arith.constant 0 : i32
    %scan3A_12 = arith.constant 8 : i32
    %scan3A_13 = arith.addi %scan3A_11, %scan3A_12 : i32
    %scan3A_14 = arith.constant 1 : i32
    %scan3A_15 = scf.for %scan3A_27 = %scan3A_11 to %scan3A_13 step %scan3A_14 iter_args(%scan3A_28 = %scan3A_10) -> (i32)  : i32 {
      %mul3A_29 = arith.constant 16 : i32
      %mul3A_30 = arith.muli %scan3A_27, %mul3A_29 : i32
      %swap3A = arith.index_cast %mul3A_30 : i32 to index
      %swap3A_31 = tpu.vector_load %arg5[%swap3A] {strides = array<i32>} : memref<128xf32, #tpu.memory_space<vmem>>, vector<16xf32>,
      %swap3A_32 = vector.shape_cast %swap3A_31 : vector<16xf32> to vector<16xf32>
      %swap3A_33 = vector.shape_cast %broadcast_in_dim3A_3 : vector<16xf32> to vector<16xf32>
      tpu.vector_store %arg5[%swap3A], %swap3A_33 {strides = array<i32>} : memref<128xf32, #tpu.memory_space<vmem>>, vector<16xf32>,
      %scan3A_34 = arith.constant 0 : i32
      scf.yield %scan3A_34 : i32
    }
    %scan3A_16 = arith.constant 8 : i32
    %mul3A_17 = arith.constant 640 : i32
    %mul3A_18 = arith.muli %arg1, %mul3A_17 : i32
    "tpu.region"() ({
      %run_scoped3A = tpu.sem_alloc : memref<!tpu.dma_semaphore, #tpu.memory_space<semaphore_mem>>
      %dma_start3A = tpu.memref_slice %arg8[%mul3A_18] : memref<10240xf32, #tpu.memory_space<vmem_shared>> -> memref<640xf32, #tpu.memory_space<vmem_shared>>
      %dma_start3A_27 = tpu.memref_slice %arg8[%mul3A_18] : memref<10240xf32, #tpu.memory_space<vmem_shared>> -> memref<640xf32, #tpu.memory_space<vmem_shared>>
      tpu.enqueue_dma source(%arg6 : memref<640xf32, #tpu.memory_space<vmem>>) target(%dma_start3A_27 : memref<640xf32, #tpu.memory_space<vmem_shared>>) target_semaphore(%run_scoped3A : memref<!tpu.dma_semaphore, #tpu.memory_space<semaphore_mem>>)
      %dma_wait3A = tpu.memref_slice %arg8[%mul3A_18] : memref<10240xf32, #tpu.memory_space<vmem_shared>> -> memref<640xf32, #tpu.memory_space<vmem_shared>>
      %dma_wait3A_28 = tpu.memref_slice %arg8[%mul3A_18] : memref<10240xf32, #tpu.memory_space<vmem_shared>> -> memref<640xf32, #tpu.memory_space<vmem_shared>>
      tpu.wait_dma2 semaphore(%run_scoped3A : memref<!tpu.dma_semaphore, #tpu.memory_space<semaphore_mem>>) src(%arg6 : memref<640xf32, #tpu.memory_space<vmem>>) dst(%dma_wait3A_28 : memref<640xf32, #tpu.memory_space<vmem_shared>>)
      tpu.yield
    }) : () -> ()
    %barrier3A = arith.constant 0 : index
    tpu.barrier barrier_id(%barrier3A)
    %scan3A_19 = arith.constant 0 : i32
    %scan3A_20 = arith.constant 0 : i32
    %scan3A_21 = arith.constant 40 : i32
    %scan3A_22 = arith.addi %scan3A_20, %scan3A_21 : i32
    %scan3A_23 = arith.constant 1 : i32
    %scan3A_24 = scf.for %scan3A_27 = %scan3A_20 to %scan3A_22 step %scan3A_23 iter_args(%scan3A_28 = %scan3A_19) -> (i32)  : i32 {
      %mul3A_29 = arith.constant 2 : i32
      %mul3A_30 = arith.muli %mul3A_29, %scan3A_27 : i32
      %dma_start3A = arith.constant 0 : i32
      %dma_start3A_31 = tpu.memref_slice %arg4[%mul3A_30, %dma_start3A] : memref<80x128xi32, #tpu.memory_space<vmem>> -> memref<1x128xi32, #tpu.memory_space<vmem>>
      %dma_start3A_32 = tpu.memref_squeeze %dma_start3A_31 : memref<1x128xi32, #tpu.memory_space<vmem>> -> memref<128xi32, #tpu.memory_space<vmem>>
      %dma_start3A_33 = arith.constant 0 : i32
      %dma_start3A_34 = tpu.memref_slice %arg8[%dma_start3A_33] : memref<10240xf32, #tpu.memory_space<vmem_shared>> -> memref<10240xf32, #tpu.memory_space<vmem_shared>>
      tpu.enqueue_indirect_dma source(%arg5 : memref<128xf32, #tpu.memory_space<vmem>>) target(%dma_start3A_34 : memref<10240xf32, #tpu.memory_space<vmem_shared>>) offsets(%dma_start3A_32 : memref<128xi32, #tpu.memory_space<vmem>>) semaphore(%arg7 : memref<!tpu.dma_semaphore, #tpu.memory_space<semaphore_mem>>) {add = true}
      %mul3A_35 = arith.constant 2 : i32
      %mul3A_36 = arith.muli %mul3A_35, %scan3A_27 : i32
      %add3A = arith.constant 1 : i32
      %add3A_37 = arith.addi %mul3A_36, %add3A : i32
      "tpu.region"() ({
        %run_scoped3A = tpu.sem_alloc : memref<!tpu.dma_semaphore, #tpu.memory_space<semaphore_mem>>
        %dma_start3A_45 = arith.constant 0 : i32
        %dma_start3A_46 = tpu.memref_slice %arg4[%add3A_37, %dma_start3A_45] : memref<80x128xi32, #tpu.memory_space<vmem>> -> memref<1x128xi32, #tpu.memory_space<vmem>>
        %dma_start3A_47 = tpu.memref_squeeze %dma_start3A_46 : memref<1x128xi32, #tpu.memory_space<vmem>> -> memref<128xi32, #tpu.memory_space<vmem>>
        %dma_start3A_48 = arith.constant 0 : i32
        %dma_start3A_49 = tpu.memref_slice %arg8[%dma_start3A_48] : memref<10240xf32, #tpu.memory_space<vmem_shared>> -> memref<10240xf32, #tpu.memory_space<vmem_shared>>
        tpu.enqueue_indirect_dma source(%arg5 : memref<128xf32, #tpu.memory_space<vmem>>) target(%dma_start3A_49 : memref<10240xf32, #tpu.memory_space<vmem_shared>>) offsets(%dma_start3A_47 : memref<128xi32, #tpu.memory_space<vmem>>) semaphore(%run_scoped3A : memref<!tpu.dma_semaphore, #tpu.memory_space<semaphore_mem>>) {add = true}
        %dma_wait3A_50 = arith.constant 0 : i32
        %dma_wait3A_51 = tpu.memref_slice %arg4[%add3A_37, %dma_wait3A_50] : memref<80x128xi32, #tpu.memory_space<vmem>> -> memref<1x128xi32, #tpu.memory_space<vmem>>
        %dma_wait3A_52 = tpu.memref_squeeze %dma_wait3A_51 : memref<1x128xi32, #tpu.memory_space<vmem>> -> memref<128xi32, #tpu.memory_space<vmem>>
        %dma_wait3A_53 = arith.constant 0 : i32
        %dma_wait3A_54 = tpu.memref_slice %arg8[%dma_wait3A_53] : memref<10240xf32, #tpu.memory_space<vmem_shared>> -> memref<10240xf32, #tpu.memory_space<vmem_shared>>
        tpu.wait_indirect_dma semaphore(%run_scoped3A : memref<!tpu.dma_semaphore, #tpu.memory_space<semaphore_mem>>) src(%arg5 : memref<128xf32, #tpu.memory_space<vmem>>) dst(%dma_wait3A_54 : memref<10240xf32, #tpu.memory_space<vmem_shared>>)
        tpu.yield
      }) : () -> ()
      %mul3A_38 = arith.constant 2 : i32
      %mul3A_39 = arith.muli %mul3A_38, %scan3A_27 : i32
      %dma_wait3A = arith.constant 0 : i32
      %dma_wait3A_40 = tpu.memref_slice %arg4[%mul3A_39, %dma_wait3A] : memref<80x128xi32, #tpu.memory_space<vmem>> -> memref<1x128xi32, #tpu.memory_space<vmem>>
      %dma_wait3A_41 = tpu.memref_squeeze %dma_wait3A_40 : memref<1x128xi32, #tpu.memory_space<vmem>> -> memref<128xi32, #tpu.memory_space<vmem>>
      %dma_wait3A_42 = arith.constant 0 : i32
      %dma_wait3A_43 = tpu.memref_slice %arg8[%dma_wait3A_42] : memref<10240xf32, #tpu.memory_space<vmem_shared>> -> memref<10240xf32, #tpu.memory_space<vmem_shared>>
      tpu.wait_indirect_dma semaphore(%arg7 : memref<!tpu.dma_semaphore, #tpu.memory_space<semaphore_mem>>) src(%arg5 : memref<128xf32, #tpu.memory_space<vmem>>) dst(%dma_wait3A_43 : memref<10240xf32, #tpu.memory_space<vmem_shared>>)
      %scan3A_44 = arith.constant 0 : i32
      scf.yield %scan3A_44 : i32
    }
    %scan3A_25 = arith.constant 40 : i32
    %barrier3A_26 = arith.constant 0 : index
    tpu.barrier barrier_id(%barrier3A_26)
    "tpu.region"() ({
      %run_scoped3A = tpu.sem_alloc : memref<!tpu.dma_semaphore, #tpu.memory_space<semaphore_mem>>
      %dma_start3A = arith.constant 0 : i32
      %dma_start3A_27 = tpu.memref_slice %arg3[%arg0, %dma_start3A] : memref<2x10240xf32, #tpu.memory_space<hbm>> -> memref<1x10240xf32, #tpu.memory_space<hbm>>
      %dma_start3A_28 = tpu.memref_squeeze %dma_start3A_27 : memref<1x10240xf32, #tpu.memory_space<hbm>> -> memref<10240xf32, #tpu.memory_space<hbm>>
      %dma_start3A_29 = tpu.memref_slice %dma_start3A_28[%mul3A_18] : memref<10240xf32, #tpu.memory_space<hbm>> -> memref<640xf32, #tpu.memory_space<hbm>>
      %dma_start3A_30 = tpu.memref_slice %arg8[%mul3A_18] : memref<10240xf32, #tpu.memory_space<vmem_shared>> -> memref<640xf32, #tpu.memory_space<vmem_shared>>
      tpu.enqueue_dma source(%dma_start3A_30 : memref<640xf32, #tpu.memory_space<vmem_shared>>) target(%dma_start3A_29 : memref<640xf32, #tpu.memory_space<hbm>>) target_semaphore(%run_scoped3A : memref<!tpu.dma_semaphore, #tpu.memory_space<semaphore_mem>>)
      %dma_wait3A = arith.constant 0 : i32
      %dma_wait3A_31 = tpu.memref_slice %arg3[%arg0, %dma_wait3A] : memref<2x10240xf32, #tpu.memory_space<hbm>> -> memref<1x10240xf32, #tpu.memory_space<hbm>>
      %dma_wait3A_32 = tpu.memref_squeeze %dma_wait3A_31 : memref<1x10240xf32, #tpu.memory_space<hbm>> -> memref<10240xf32, #tpu.memory_space<hbm>>
      %dma_wait3A_33 = tpu.memref_slice %dma_wait3A_32[%mul3A_18] : memref<10240xf32, #tpu.memory_space<hbm>> -> memref<640xf32, #tpu.memory_space<hbm>>
      %dma_wait3A_34 = tpu.memref_slice %arg8[%mul3A_18] : memref<10240xf32, #tpu.memory_space<vmem_shared>> -> memref<640xf32, #tpu.memory_space<vmem_shared>>
      tpu.wait_dma2 semaphore(%run_scoped3A : memref<!tpu.dma_semaphore, #tpu.memory_space<semaphore_mem>>) src(%dma_wait3A_34 : memref<640xf32, #tpu.memory_space<vmem_shared>>) dst(%dma_wait3A_33 : memref<640xf32, #tpu.memory_space<hbm>>)
      tpu.yield
    }) : () -> ()
    return
  }
}

</mosaic_0001>

<sc_bundles>
// kernel: _hist.3.cloned.1.call-start
scs
__scs_entry_jumppad:
0x0: {  	(pc) =	sbr.rel $0x88, $3  }
0x1: {  	(tag) =	ssettag $0x0;
	lr =	simm.s32 $0x1  }
0x2: {  	[smem:$0x3FA0] =	sst lr;
	_ =	strace $0xD0000000  }
0x3: {  	_ = 	snop  }
0x4: {  	_ = 	snop  }
0x5: {  	_ = 	snop  }
0x6: {  	_ = 	snop  }
0x7: {  	_ = 	snop  }
__scs_overlays_trampoline_lowered:
0x8: {  	[smem:$0x3FAF] =	sst s0  }
0x9: {  	[smem:$0x3FB0] =	sst s1  }
0xa: {  	[smem:$0x3FB1] =	sst s2  }
0xb: {  	[smem:$0x3FB2] =	sst s3  }
0xc: {  	[smem:$0x3FB3] =	sst s4  }
0xd: {  	[smem:$0x3FB4] =	sst s5  }
0xe: {  	[smem:$0x3FB5] =	sst s6  }
0xf: {  	[smem:$0x3FB6] =	sst s7  }
0x10: {  	[smem:$0x3FB7] =	sst s8  }
0x11: {  	[smem:$0x3FB8] =	sst s9;
	s0 =	simm.s32 @!p0 $0x0  }
0x12: {  	s1 =	sld [smem:$0x3F9E];
	s0 =	simm.s32 @p0 $0x1  }
0x13: {  	[smem:$0x3FB9] =	sst s0;
	s0 =	simm.s32 @!p1 $0x0  }
0x14: {  	s2 =	sld [smem:$0x3F9D];
	s0 =	simm.s32 @p1 $0x1  }
0x15: {  	[smem:$0x3FBA] =	sst s0;
	s0 =	simm.s32 @!p2 $0x0  }
0x16: {  	s3 =	sld [smem:$0x3FDB];
	s0 =	simm.s32 @p2 $0x1  }
0x17: {  	s4 =	simm.s32 $0x1BF5;
	[smem:$0x3FBC] =	sst s0  }
0x18: {  	s0 =	sld [smem:$0x3F9F];
	_ =	swait.ge [sflag:s4], $0x0  }
0x19: {  	s7 =	sld [smem:$0x3FA0]  }
0x1a: {  	s8 =	sadd.s32 $0xFFFFE003, lr  }
0x1b: {  	s9 =	sadd.s32 $0xFFFFFEF7, lr;
	s5 =	simm.s32 $0xFFFFFFFF;
	p2 =	slt.u32 s8, $0xFFFFF086  }
0x1c: {  	p1 =	slt.u32 s9, $0xF7A;
	s5 =	simm.s32 @!p2 $0x0  }
0x1d: {  	s5 =	simm.s32 @p1 $0x1;
	p0 =	seq.s32 s7, s2  }
0x1e: {  	s7 =	smul.u32 @!p0 $0xF7A, s2;
	p2 =	seq.s32 @!p0 s5, $0x0  }
0x1f: {  	s9 =	smul.u32 $0xF7A, s1;
	s8 =	simm.s32 @!p0 $0x1BF5;
	p2 =	por !p2, p0  }
0x20: {  	[sflag:s8] =	ssyncset.s32 @!p0 $0xFFFFF086;
	s6 =	sadd.s32 @!p0 s3, s7;
	s7 =	simm.s32 @!p0 $0x108  }
0x21: {  	s3 =	sadd.s32 s3, s9;
	s6 =	sadd.s32 @!p0 $0x88, s6;
	s7 =	simm.s32 @p2 $0x1082  }
0x22: {  	[simem:s7], [sflag:s8] =	dma.local @!p0 [hbm:s6], $0xF7A  }
0x23: {  	s9 =	sor.u32 $0xD0000000, s2;
	s6 =	simm.s32 $0x108;
	_ =	swait.ge @!p0 [sflag:s8], $0x0  }
0x24: {  	s3 =	sadd.s32 $0x88, s3;
	s6 =	simm.s32 @!p1 $0x1082;
	[sflag:s4] =	ssyncset.s32 $0xFFFFF086  }
0x25: {  	[simem:s6], [sflag:s4] =	dma.local [hbm:s3], $0xF7A  }
0x26: {  	[smem:$0x3FA0] =	sst s1;
	(tag) =	ssettag s2;
	_ =	strace s9  }
0x27: {  	s1 =	sld [smem:$0x3FB0]  }
0x28: {  	s2 =	sld [smem:$0x3FB1]  }
0x29: {  	s4 =	sld [smem:$0x3FB3]  }
0x2a: {  	p0 =	seq.s32 s5, $0x0;
	s5 =	sld [smem:$0x3FB4]  }
0x2b: {  	s6 =	sld [smem:$0x3FB5]  }
0x2c: {  	s7 =	sld [smem:$0x3FB6]  }
0x2d: {  	s3 =	simm.s32 $0x108;
	s8 =	sld [smem:$0x3FB7]  }
0x2e: {  	s3 =	simm.s32 @!p0 $0x1082;
	s9 =	sld [smem:$0x3FB8]  }
0x2f: {  	lr =	sadd.s32 s0, s3;
	s0 =	sld [smem:$0x3FAF]  }
0x30: {  	s3 =	sld [smem:$0x3FB2]  }
0x31: {  	[smem:$0x3FBB] =	sst s10  }
0x32: {  	s10 =	sld [smem:$0x3FB9];
	_ =	sdelay $0x3  }
0x33: {  	p0 =	seq.s32 s10, $0x1;
	s10 =	sld [smem:$0x3FBB];
	_ =	sdelay $0x3  }
0x34: {  	[smem:$0x3FBB] =	sst s10  }
0x35: {  	s10 =	sld [smem:$0x3FBA];
	_ =	sdelay $0x3  }
0x36: {  	p1 =	seq.s32 s10, $0x1;
	s10 =	sld [smem:$0x3FBB];
	_ =	sdelay $0x3  }
0x37: {  	[smem:$0x3FBB] =	sst s10  }
0x38: {  	s10 =	sld [smem:$0x3FBC]  }
0x39: {  	_ = 	snop;
	(pc) =	sbr.ind lr, $3  }
0x3a: {  	_ = 	snop  }
0x3b: {  	_ = 	snop  }
0x3c: {  	p2 =	seq.s32 s10, $0x1;
	s10 =	sld [smem:$0x3FBB]  }
0x3d: {  	_ =	shalt  }
0x3e: {  	_ =	shalt  }
0x3f: {  	_ =	shalt  }
0x40: {  	_ =	shalt  }
0x41: {  	_ =	shalt  }
0x42: {  	_ =	shalt  }
0x43: {  	_ =	shalt  }
0x44: {  	_ =	shalt  }
0x45: {  	_ =	shalt  }
0x46: {  	_ =	shalt  }
0x47: {  	_ =	shalt  }
0x48: {  	_ =	shalt  }
0x49: {  	_ =	shalt  }
0x4a: {  	_ =	shalt  }
0x4b: {  	_ =	shalt  }
0x4c: {  	_ =	shalt  }
0x4d: {  	_ =	shalt  }
0x4e: {  	_ =	shalt  }
0x4f: {  	_ =	shalt  }
0x50: {  	_ =	shalt  }
0x51: {  	_ =	shalt  }
0x52: {  	_ =	shalt  }
0x53: {  	_ =	shalt  }
0x54: {  	_ =	shalt  }
0x55: {  	_ =	shalt  }
0x56: {  	_ =	shalt  }
0x57: {  	_ =	shalt  }
0x58: {  	_ =	shalt  }
0x59: {  	_ =	shalt  }
0x5a: {  	_ =	shalt  }
0x5b: {  	_ =	shalt  }
0x5c: {  	_ =	shalt  }
0x5d: {  	_ =	shalt  }
0x5e: {  	_ =	shalt  }
0x5f: {  	_ =	shalt  }
0x60: {  	_ =	shalt  }
0x61: {  	_ =	shalt  }
0x62: {  	_ =	shalt  }
0x63: {  	_ =	shalt  }
0x64: {  	_ =	shalt  }
0x65: {  	_ =	shalt  }
0x66: {  	_ =	shalt  }
0x67: {  	_ =	shalt  }
0x68: {  	_ =	shalt  }
0x69: {  	_ =	shalt  }
0x6a: {  	_ =	shalt  }
0x6b: {  	_ =	shalt  }
0x6c: {  	_ =	shalt  }
0x6d: {  	_ =	shalt  }
0x6e: {  	_ =	shalt  }
0x6f: {  	_ =	shalt  }
0x70: {  	_ =	shalt  }
0x71: {  	_ =	shalt  }
0x72: {  	_ =	shalt  }
0x73: {  	_ =	shalt  }
0x74: {  	_ =	shalt  }
0x75: {  	_ =	shalt  }
0x76: {  	_ =	shalt  }
0x77: {  	_ =	shalt  }
0x78: {  	_ =	shalt  }
0x79: {  	_ =	shalt  }
0x7a: {  	_ =	shalt  }
0x7b: {  	_ =	shalt  }
0x7c: {  	_ =	shalt  }
0x7d: {  	_ =	shalt  }
0x7e: {  	_ =	shalt  }
0x7f: {  	_ =	shalt  }
0x80: {  	_ =	shalt  }
0x81: {  	_ =	shalt  }
0x82: {  	_ =	shalt  }
0x83: {  	_ =	shalt  }
0x84: {  	_ =	shalt  }
0x85: {  	_ =	shalt  }
0x86: {  	_ =	shalt  }
0x87: {  	_ =	shalt  }
.Lfunc_end0:
.L_simem_size_0:
called_computation_lowered:
.L_overlay_start_0:
0x88: {  	s2 =	sld [smem:$0x3FD9]  }
0x89: {  	s3 =	sld [smem:$0x3FFE];
	_ =	sdelay $0x1  }
0x8a: {  	s1 =	srdreg.scid  }
0x8b: {  	s0 =	sand.u32 $0x1, s1  }
0x8c: {  	s17 =	sshll.u32 s0, $0xA;
	s2 =	sadd.s32 s3, s2  }
0x8d: {  	s2 =	sadd.s32 s2, s17  }
0x8e: {  	[smem:$0x3FC7] =	sst s2  }
0x8f: {  	_ = 	snop  }
0x90: {  	s2 =	sld [smem:$0x3FC9];
	(tm) =	ssettm $0x1  }
0x91: {  	s18 =	sld [smem:$0x3FFB];
	_ =	sdelay $0x3  }
0x92: {  	_ =	strace s18  }
0x93: {  	s3 =	sld [smem:$0x3FFC];
	_ =	sdelay $0x3  }
0x94: {  	_ =	strace s3  }
0x95: {  	s3 =	sld [smem:$0x3FFD];
	_ =	sdelay $0x3  }
0x96: {  	_ =	strace s3  }
0x97: {  	_ =	strace $0x8FFFFFFF  }
0x98: {  	s19 =	sld [smem:$0x3FDB];
	_ =	sdelay $0x1  }
0x99: {  	s4 =	simm.s32 $_scs_section_size  }
0x9a: {  	s5 =	simm.s32 $_size__tile_overlayer_lowered;
	s6 =	simm.s32 $_tile_overlayer_lowered  }
0x9b: {  	s22 =	simm.s32 $0x1BFF;
	s21 =	sshll.u32 s6, $0x1;
	s3 =	sadd.s32 s4, s19  }
0x9c: {  	s7 =	simm.s32 $0x0;
	s20 =	sshll.u32 s5, $0x1;
	s5 =	sadd.s32 s21, s3  }
0x9d: {  	[timem:s7], [sflag:s22] =	dma.local [hbm:s5], s20  }
0x9e: {  	_ =	swait.ge [sflag:s22], s20  }
0x9f: {  	s4 =	ssub.s32 $0x0, s20;
	[sflag:s22] =	ssyncset.done $0x0  }
0xa0: {  	[sflag:s22] =	ssyncadd.s32 s4;
	_ =	sdelay $0x1  }
0xa1: {  	s23 =	simm.s32 $0x1B8B  }
0xa2: {  	_ =	swait.ge [sflag:s23], $0x1  }
0xa3: {  	[sflag:s23] =	ssyncset.done $0x0  }
0xa4: {  	s25 =	simm.s32 $0x1B8E;
	s24 =	sld [smem:$0x3FFE];
	[sflag:s23] =	ssyncadd.s32 $0xFFFFFFFF  }
0xa5: {  	s26 =	simm.s32 $execute0_lowered;
	[smem:$0x3FD2] =	sst s25  }
0xa6: {  	s5 =	sshll.u32 s26, $0x1;
	_ =	strace $0x80000046;
	[dreg:$0x1] =	wrdreg $0xFFFFFFFF  }
0xa7: {  	s28 =	simm.s32 $_size_execute0_lowered;
	s3 =	sadd.s32 s3, s5;
	[dreg:$0x0] =	wrdreg $0x0  }
0xa8: {  	s5 =	sshll.u32 s28, $0x1;
	[dreg:$0x2] =	wrdreg s3  }
0xa9: {  	[dreg:$0x3] =	wrdreg s5  }
0xaa: {  	[dreg:$0x4] =	wrdreg $0xC0  }
0xab: {  	_ =	task [dreg:s7], $0x5FFFF  }
0xac: {  	[dreg:$0x1] =	wrdreg $0xFFFFFFFF  }
0xad: {  	[dreg:$0x0] =	wrdreg $0x60  }
0xae: {  	[dreg:$0x2] =	wrdreg s2  }
0xaf: {  	[dreg:$0x3] =	wrdreg s24  }
0xb0: {  	[dreg:$0x4] =	wrdreg $0x2B000  }
0xb1: {  	[dreg:$0x5] =	wrdreg $0x9  }
0xb2: {  	_ =	task.clear_ibuf [dreg:s7], $0x6FFFF;
	_ =	strace $0x90000046  }
0xb3: {  	s29 =	simm.s32 $0x9;
	_ =	strace $0x80000048  }
0xb4: {  	_ =	swait.ge [sflag:s29], $0x1  }
0xb5: {  	[sflag:s29] =	ssyncadd.s32 $0xFFFFFFFF  }
0xb6: {  	_ =	strace $0x90000048  }
0xb7: {  	_ =	sfence  }
0xb8: {  	s30 =	sld [smem:$0x0];
	_ =	sdelay $0x2  }
0xb9: {  	s31 =	sshll.u32 s1, $0xD;
	s1 =	sshrl.u32 s1, $0x2  }
0xba: {  	s3 =	sand.u32 $0x4000, s31;
	s1 =	sadd.s32 s1, s30  }
0xbb: {  	s0 =	sor.u32 s3, s0;
	s1 =	sshll.u32 s1, $0x11  }
0xbc: {  	s0 =	sor.u32 s1, s0  }
0xbd: {  	s0 =	sadd.s32 $0x8F2B, s0  }
0xbe: {  	[sflag:s0] =	ssyncadd.remote.s32 $0x1  }
0xbf: {  	_ =	sfence.sel $0xFFFF  }
0xc0: {  	[dreg:$0x0] =	wrdreg $0xFFFFFFFF;
	(pc) =	sbr.abs _section_cstart, $3  }
0xc1: {  	[dreg:$0x1] =	wrdreg $0xFFFFFFFF  }
0xc2: {  	_ =	task.clear_ibuf [dreg:s7], $0x2FFFF;
	_ =	strace $0x9FFFFFFF  }
0xc3: {  	(tm) =	ssettm $0x7FFFFFFF  }
tec
execute0_lowered:
.L_overlay_start_1:
0x0: {  	(tag) =	ssettag $0x1  }
0x1: {  	s4 =	rddreg [dreg:$0x0]  }
0x2: {  	s5 =	rddreg [dreg:$0x1]  }
0x3: {  	s1 =	rddreg [dreg:$0x2];
	s2 =	srdreg.scid  }
0x4: {  	s0 =	rddreg [dreg:$0x3];
	s6 =	sand.u32 $0x1, s2  }
0x5: {  	s3 =	simm.s32 $0x0;
	s2 =	stileid.u32;
	s7 =	smul.u32 $0x500, s6  }
0x6: {  	s15 =	simm.s32 $0x0;
	[smem:$0x7FF] =	sst s3;
	s8 =	smul.u32 $0xA00, s2  }
0x7: {  	s6 =	ssub.s32 $0x2, s6;
	_ =	strace $0x80000047;
	s10 =	smul.u32 $0x280, s2  }
0x8: {  	s31 =	sshll.u32 s2, $0x6;
	s9 =	sshrl.u32 s6, $0x1;
	s11 =	sadd.s32 s7, s5  }
0x9: {  	s6 =	ssub.s32 s6, s9;
	s4 =	sadd.s32 s4, s8;
	s5 =	sadd.s32 s10, s1  }
0xa: {  	s13 =	sshrl.u32 s10, $0x3;
	s8 =	simm.s32 $0x2880;
	s9 =	simm.s32 $0x80  }
0xb: {  	s10 =	simm.s32 $0x2800;
	s4 =	sadd.s32 s7, s4;
	s12 =	sadd.s32 $0x400, s11  }
0xc: {  	s6 =	smax.u32 s6, $0x1;
	s7 =	simm.s32 $0x2;
	s11 =	simm.s32 $0x1  }
0xd: {  	v0 =	vimm.f32 $0.0e+00;
	v1 =	vimm.f32 $1.000000000e+00;
	s14 =	sshrl.u32 s5, $0x3;
	s12 =	sadd.s32 s13, s12;
	s13 =	sor.u32 $0x1C02, s31  }
.LBB2_1:
0xe: {  	[tilespmem:s3], [sflag:$0x2] =	stream.linear.gather [hbm4b:s4+s3], $0x2800, $0x38;
	[tilespmem:$0x2D80] =	vst v63  }
0xf: {  	_ =	swait.ge [sflag:s7], $0x2800  }
0x10: {  	[sflag:s7] =	ssyncset.done $0x0  }
0x11: {  	[sflag:s7] =	ssyncadd.s32 $0xFFFFD800  }
0x12: {  	[tilespmem:$0x2880] =	vst v0  }
0x13: {  	[tilespmem:$0x2890] =	vst v0  }
0x14: {  	[tilespmem:$0x28A0] =	vst v0  }
0x15: {  	[tilespmem:$0x28B0] =	vst v0  }
0x16: {  	[tilespmem:$0x28C0] =	vst v0  }
0x17: {  	[tilespmem:$0x28D0] =	vst v0  }
0x18: {  	[tilespmem:$0x28E0] =	vst v0  }
0x19: {  	[tilespmem:$0x28F0] =	vst v0  }
0x1a: {  	[tilespmem:$0x2900] =	vst v0  }
0x1b: {  	[tilespmem:$0x2910] =	vst v0  }
0x1c: {  	[tilespmem:$0x2920] =	vst v0  }
0x1d: {  	[tilespmem:$0x2930] =	vst v0  }
0x1e: {  	[tilespmem:$0x2940] =	vst v0  }
0x1f: {  	[tilespmem:$0x2950] =	vst v0  }
0x20: {  	[tilespmem:$0x2960] =	vst v0  }
0x21: {  	[tilespmem:$0x2970] =	vst v0  }
0x22: {  	[tilespmem:$0x2980] =	vst v0  }
0x23: {  	[tilespmem:$0x2990] =	vst v0  }
0x24: {  	[tilespmem:$0x29A0] =	vst v0  }
0x25: {  	[tilespmem:$0x29B0] =	vst v0  }
0x26: {  	[tilespmem:$0x29C0] =	vst v0  }
0x27: {  	[tilespmem:$0x29D0] =	vst v0  }
0x28: {  	[tilespmem:$0x29E0] =	vst v0  }
0x29: {  	[tilespmem:$0x29F0] =	vst v0  }
0x2a: {  	[tilespmem:$0x2A00] =	vst v0  }
0x2b: {  	[tilespmem:$0x2A10] =	vst v0  }
0x2c: {  	[tilespmem:$0x2A20] =	vst v0  }
0x2d: {  	[tilespmem:$0x2A30] =	vst v0  }
0x2e: {  	[tilespmem:$0x2A40] =	vst v0  }
0x2f: {  	[tilespmem:$0x2A50] =	vst v0  }
0x30: {  	[tilespmem:$0x2A60] =	vst v0  }
0x31: {  	[tilespmem:$0x2A70] =	vst v0  }
0x32: {  	[tilespmem:$0x2A80] =	vst v0  }
0x33: {  	[tilespmem:$0x2A90] =	vst v0  }
0x34: {  	[tilespmem:$0x2AA0] =	vst v0  }
0x35: {  	[tilespmem:$0x2AB0] =	vst v0  }
0x36: {  	[tilespmem:$0x2AC0] =	vst v0  }
0x37: {  	[tilespmem:$0x2AD0] =	vst v0  }
0x38: {  	[tilespmem:$0x2AE0] =	vst v0  }
0x39: {  	[tilespmem:$0x2AF0] =	vst v0  }
0x3a: {  	[tilespmem:$0x2800] =	vst v1  }
0x3b: {  	[tilespmem:$0x2810] =	vst v1  }
0x3c: {  	[tilespmem:$0x2820] =	vst v1  }
0x3d: {  	[tilespmem:$0x2830] =	vst v1  }
0x3e: {  	[tilespmem:$0x2840] =	vst v1  }
0x3f: {  	[tilespmem:$0x2850] =	vst v1  }
0x40: {  	[tilespmem:$0x2860] =	vst v1  }
0x41: {  	[tilespmem:$0x2870] =	vst v1  }
0x42: {  	[spmem:s5] =	stream.linear.scatter [tilespmem:s8], [sflag:$0x2], $0x280, $0x38;
	[tilespmem:$0x2D80] =	vst v63  }
0x43: {  	_ =	swait.ge [sflag:s7], $0x280  }
0x44: {  	[sflag:s7] =	ssyncset.done $0x0  }
0x45: {  	[sflag:s7] =	ssyncadd.s32 $0xFFFFFD80  }
0x46: {  	s16 =	simm.s32 $0x0;
	[bflag:$0x0] =	sbarrier.arrive $0xFFFF  }
0x47: {  	[spmem:s1] =	stream.indirect.scatter.add.f32 [tilespmem:s10], [sflag:$0x1], $0x1, s16, s9, $0xb8;
	[tilespmem:$0x2D80] =	vst v63  }
0x48: {  	s31 =	simm.s32 $0x80  }
0x49: {  	[spmem:s1] =	stream.indirect.scatter.add.f32 [tilespmem:s10], [sflag:$0x2], $0x1, s31, s9, $0xb8;
	[tilespmem:$0x2D80] =	vst v63  }
0x4a: {  	_ =	swait.ge [sflag:s7], $0x80  }
0x4b: {  	[sflag:s7] =	ssyncset.done $0x0  }
0x4c: {  	[sflag:s7] =	ssyncadd.s32 $0xFFFFFF80  }
0x4d: {  	_ =	swait.ge [sflag:s11], $0x80  }
0x4e: {  	s17 =	simm.s32 $0x800;
	s16 =	simm.s32 $0x400;
	[sflag:s11] =	ssyncset.done $0x0  }
.LBB2_2:
0x4f: {  	s18 =	sshra.s32 s16, $0x2  }
0x50: {  	[sflag:s11] =	ssyncadd.s32 $0xFFFFFF80;
	s16 =	smov.u32 s17;
	s19 =	sadd.s32 $0x400, s17  }
0x51: {  	[spmem:s1] =	stream.indirect.scatter.add.f32 [tilespmem:s10], [sflag:$0x1], $0x1, s18, s9, $0xb8;
	[tilespmem:$0x2D80] =	vst v63  }
0x52: {  	p0 =	sne.s32 s17, $0x9C00;
	s17 =	sadd.s32 $0x80, s18  }
0x53: {  	[spmem:s1] =	stream.indirect.scatter.add.f32 [tilespmem:s10], [sflag:$0x2], $0x1, s17, s9, $0xb8;
	[tilespmem:$0x2D80] =	vst v63  }
.Ltmp0:
0x54: {  	_ =	swait.ge [sflag:s7], $0x80;
	(pc) =	sbr.rel @p0 .LBB2_2-.Ltmp0, $4  }
0x55: {  	[sflag:s7] =	ssyncset.done $0x0  }
0x56: {  	[sflag:s7] =	ssyncadd.s32 $0xFFFFFF80  }
0x57: {  	_ =	swait.ge [sflag:s11], $0x80  }
0x58: {  	s17 =	smov.u32 s19;
	[sflag:s11] =	ssyncset.done $0x0  }
0x59: {  	s16 =	sshra.s32 s16, $0x2;
	[sflag:s11] =	ssyncadd.s32 $0xFFFFFF80  }
0x5a: {  	[spmem:s1] =	stream.indirect.scatter.add.f32 [tilespmem:s10], [sflag:$0x1], $0x1, s16, s9, $0xb8;
	[tilespmem:$0x2D80] =	vst v63  }
0x5b: {  	s16 =	sadd.s32 $0x80, s16  }
0x5c: {  	[spmem:s1] =	stream.indirect.scatter.add.f32 [tilespmem:s10], [sflag:$0x2], $0x1, s16, s9, $0xb8;
	[tilespmem:$0x2D80] =	vst v63  }
0x5d: {  	_ =	swait.ge [sflag:s7], $0x80  }
0x5e: {  	[sflag:s7] =	ssyncset.done $0x0  }
0x5f: {  	[sflag:s7] =	ssyncadd.s32 $0xFFFFFF80  }
0x60: {  	_ =	swait.ge [sflag:s11], $0x80  }
0x61: {  	s15 =	sadd.s32 $0x1, s15;
	[sflag:s11] =	ssyncset.done $0x0  }
0x62: {  	p0 =	sne.s32 s15, s6;
	[sflag:s11] =	ssyncadd.s32 $0xFFFFFF80  }
.Ltmp1:
0x63: {  	[bflag:$0x0] =	sbarrier.arrive $0xFFFF;
	(pc) =	sbr.rel @p0 .LBB2_1-.Ltmp1, $4  }
0x64: {  	[hbm:s12], [sflag:s13] =	dma.local [spmem:s14], $0x50  }
0x65: {  	_ =	swait.ge [sflag:s7], $0x50  }
0x66: {  	[sflag:s7] =	ssyncset.done $0x0  }
0x67: {  	[sflag:s7] =	ssyncadd.s32 $0xFFFFFFB0  }
0x68: {  	_ =	sfence.sel $0x180000  }
0x69: {  	[bflag:$0x0] =	sbarrier.arrive $0xFFFF  }
0x6a: {  	p0 =	sne.s32 s2, $0x0;
	_ =	strace $0x90000047  }
0x6b: {  	s0 =	sadd.s32 @!p0 $0x100000, s0;
	[bflag:$0x2] =	sbarrier.arrive $0xFFFF  }
0x6c: {  	[sflag:s0] =	ssyncadd.tile.s32 @!p0 $0x1;
	_ =	shalt  }
.Lfunc_end2:
_tile_overlayer_lowered:
.L_overlay_start_2:
0x6d: {  	(tag) =	ssettag $0x2  }
0x6e: {  	s0 =	rddreg [dreg:$0x0];
	s2 =	stileid.u32  }
0x6f: {  	s1 =	rddreg [dreg:$0x1];
	p0 =	sne.s32 s2, $0x0  }
0x70: {  	s3 =	rddreg [dreg:$0x2];
	[bflag:$0x3] =	sbarrier.arrive $0xFFFF;
	s2 =	simm.s32 @!p0 $0x1C02  }
0x71: {  	[timem:s3], [sflag:s2] =	dma.local @!p0 [hbm:s0], s1  }
0x72: {  	s0 =	simm.s32 @!p0 $0x2  }
0x73: {  	_ =	swait.ge @!p0 [sflag:s0], s1  }
0x74: {  	s1 =	ssub.s32 @!p0 $0x0, s1;
	[sflag:s0] =	ssyncset.done @!p0 $0x0  }
0x75: {  	[sflag:s0] =	ssyncadd.s32 @!p0 s1  }
0x76: {  	[bflag:$0x3] =	sbarrier.arrive $0xFFFF  }
0x77: {  	_ =	shalt  }

</sc_bundles>
